<compile_context>
chip_gen: v7x
topology: tpu7x:2x2x1
jax: 0.10.2.dev20260603
libtpu: 0.0.44.dev20260713+nightly
codegen_flags: <defaults>
</compile_context>

<pallas_src>
import functools

import jax
import jax.numpy as jnp
from jax import lax
from jax.experimental import pallas as pl
from jax.experimental.pallas import tpu as pltpu
from jax.experimental.pallas import tpu_sc as plsc

_CW = 128
_NW = 32
_ROWS = 4096
_RPW = _ROWS // _NW

_BR = 256


def _sc_compact_last(x_hbm, col_hbm, gath_v, sem):
    L = x_hbm.shape[1]
    wid = lax.axis_index("s") * 2 + lax.axis_index("c")
    base = wid * _RPW
    pltpu.async_copy(
        x_hbm.at[pl.ds(base, _RPW), pl.ds(L - _CW, _CW)], gath_v, sem,
    ).wait()
    pltpu.sync_copy(gath_v, col_hbm.at[pl.ds(base, _RPW), :])


def _tc_fill_kernel(col_ref, o_ref):
    o_ref[...] = jnp.zeros(o_ref.shape, o_ref.dtype)
    cid = lax.broadcasted_iota(jnp.int32, (o_ref.shape[0], _CW), 1)
    o_ref[:, 0:_CW] = jnp.where(cid == 1, col_ref[:, _CW - 1:_CW], 0.0)


def kernel(x):
    N, C, L = x.shape
    L_out = L + 1
    rows = N * C
    x2 = x.reshape(rows, L)

    mesh = plsc.VectorSubcoreMesh(core_axis_name="c", subcore_axis_name="s")
    sc_compact = functools.partial(
        pl.kernel,
        mesh=mesh,
        out_type=jax.ShapeDtypeStruct((rows, _CW), jnp.float32),
        scratch_types=[
            pltpu.VMEM((_RPW, _CW), jnp.float32),
            pltpu.SemaphoreType.DMA,
        ],
    )(_sc_compact_last)
    col = sc_compact(x2)

    out2 = pl.pallas_call(
        _tc_fill_kernel,
        grid=(rows // _BR,),
        in_specs=[pl.BlockSpec((_BR, _CW), lambda i: (i, 0))],
        out_specs=pl.BlockSpec((_BR, L_out), lambda i: (i, 0)),
        out_shape=jax.ShapeDtypeStruct((rows, L_out), x.dtype),
    )(col)
    return out2.reshape(N, C, L_out)

# --- scband reference (transcript-rebuilt; emitter-appended) ---
"""Pipeline reference for scband-my-model-61933428409563 (READ-ONLY COPY).

The authoritative reference and input builder live on the scoring server;
editing this copy changes nothing except your own understanding.
"""

import jax, jax.numpy as jnp
import numpy as np

def setup_inputs(seed: int = 0) -> dict:
    key = jax.random.key(seed)
    x = jax.random.normal(key, (4, 1024, 8192), dtype=jnp.float32)
    return {"x": x}

def reference(x):
    # Faithful translation of F.max_unpool1d(x, indices=ones_like(x), kernel_size=2, stride=1)
    # Output length: (L - 1) * stride - 2*padding + kernel_size = L + 1
    N, C, L = x.shape
    kernel_size = 2
    stride = 1
    L_out = (L - 1) * stride + kernel_size
    indices = jnp.ones(x.shape, dtype=jnp.int32)  # torch.ones_like(x, dtype=long)
    out = jnp.zeros((N, C, L_out), dtype=x.dtype)
    n_idx = jnp.arange(N)[:, None, None]
    c_idx = jnp.arange(C)[None, :, None]
    # scatter-overwrite: output[n, c, indices[n, c, l]] = x[n, c, l]
    out = out.at[n_idx, c_idx, indices].set(x)
    return out

if __name__ == "__main__":
    import jax
    _d = setup_inputs()
    print(jax.jit(kernel)(*tuple(_d.values())))

</pallas_src>

<mosaic_0001>
#map = affine_map<(d0, d1) -> (0, 0)>
module attributes {stable_mosaic.version = 14 : i64} {
  func.func @_sc_compact_last(%arg0: i32, %arg1: i32, %arg2: memref<4096x8192xf32, #tpu.memory_space<hbm>>, %arg3: memref<4096x128xf32, #tpu.memory_space<hbm>>, %arg4: memref<128x128xf32, #tpu.memory_space<vmem>>, %arg5: memref<!tpu.dma_semaphore, #tpu.memory_space<semaphore_mem>>) attributes {dimension_semantics = [#tpu.dimension_semantics<core_parallel>, #tpu.dimension_semantics<subcore_parallel>], iteration_bounds = array<i64: 2, 16>, scalar_prefetch = 0 : i64, scratch_operands = 2 : i64, tpu.core_type = #tpu.core_type<sc_vector_subcore>, window_params = [{transform_indices = #map}, {transform_indices = #map}]} {
    %mul3A = arith.constant 2 : i32
    %mul3A_0 = arith.muli %arg1, %mul3A : i32
    %add3A = arith.addi %mul3A_0, %arg0 : i32
    %mul3A_1 = arith.constant 128 : i32
    %mul3A_2 = arith.muli %add3A, %mul3A_1 : i32
    %dma_start3A = arith.constant 8064 : i32
    %dma_start3A_3 = tpu.memref_slice %arg2[%mul3A_2, %dma_start3A] : memref<4096x8192xf32, #tpu.memory_space<hbm>> -> memref<128x128xf32, #tpu.memory_space<hbm>>
    %dma_start3A_4 = arith.constant 8064 : i32
    %dma_start3A_5 = tpu.memref_slice %arg2[%mul3A_2, %dma_start3A_4] : memref<4096x8192xf32, #tpu.memory_space<hbm>> -> memref<128x128xf32, #tpu.memory_space<hbm>>
    tpu.enqueue_dma source(%dma_start3A_5 : memref<128x128xf32, #tpu.memory_space<hbm>>) target(%arg4 : memref<128x128xf32, #tpu.memory_space<vmem>>) target_semaphore(%arg5 : memref<!tpu.dma_semaphore, #tpu.memory_space<semaphore_mem>>)
    %dma_wait3A = arith.constant 8064 : i32
    %dma_wait3A_6 = tpu.memref_slice %arg2[%mul3A_2, %dma_wait3A] : memref<4096x8192xf32, #tpu.memory_space<hbm>> -> memref<128x128xf32, #tpu.memory_space<hbm>>
    %dma_wait3A_7 = arith.constant 8064 : i32
    %dma_wait3A_8 = tpu.memref_slice %arg2[%mul3A_2, %dma_wait3A_7] : memref<4096x8192xf32, #tpu.memory_space<hbm>> -> memref<128x128xf32, #tpu.memory_space<hbm>>
    tpu.wait_dma2 semaphore(%arg5 : memref<!tpu.dma_semaphore, #tpu.memory_space<semaphore_mem>>) src(%dma_wait3A_8 : memref<128x128xf32, #tpu.memory_space<hbm>>) dst(%arg4 : memref<128x128xf32, #tpu.memory_space<vmem>>)
    "tpu.region"() ({
      %run_scoped3A = tpu.sem_alloc : memref<!tpu.dma_semaphore, #tpu.memory_space<semaphore_mem>>
      %dma_start3A_9 = arith.constant 0 : i32
      %dma_start3A_10 = tpu.memref_slice %arg3[%mul3A_2, %dma_start3A_9] : memref<4096x128xf32, #tpu.memory_space<hbm>> -> memref<128x128xf32, #tpu.memory_space<hbm>>
      %dma_start3A_11 = arith.constant 0 : i32
      %dma_start3A_12 = tpu.memref_slice %arg3[%mul3A_2, %dma_start3A_11] : memref<4096x128xf32, #tpu.memory_space<hbm>> -> memref<128x128xf32, #tpu.memory_space<hbm>>
      tpu.enqueue_dma source(%arg4 : memref<128x128xf32, #tpu.memory_space<vmem>>) target(%dma_start3A_12 : memref<128x128xf32, #tpu.memory_space<hbm>>) target_semaphore(%run_scoped3A : memref<!tpu.dma_semaphore, #tpu.memory_space<semaphore_mem>>)
      %dma_wait3A_13 = arith.constant 0 : i32
      %dma_wait3A_14 = tpu.memref_slice %arg3[%mul3A_2, %dma_wait3A_13] : memref<4096x128xf32, #tpu.memory_space<hbm>> -> memref<128x128xf32, #tpu.memory_space<hbm>>
      %dma_wait3A_15 = arith.constant 0 : i32
      %dma_wait3A_16 = tpu.memref_slice %arg3[%mul3A_2, %dma_wait3A_15] : memref<4096x128xf32, #tpu.memory_space<hbm>> -> memref<128x128xf32, #tpu.memory_space<hbm>>
      tpu.wait_dma2 semaphore(%run_scoped3A : memref<!tpu.dma_semaphore, #tpu.memory_space<semaphore_mem>>) src(%arg4 : memref<128x128xf32, #tpu.memory_space<vmem>>) dst(%dma_wait3A_16 : memref<128x128xf32, #tpu.memory_space<hbm>>)
      tpu.yield
    }) : () -> ()
    return
  }
}

module attributes {stable_mosaic.version = 14 : i64} {
  func.func @_tc_fill_kernel(%arg0: i32, %arg1: memref<256x128xf32, #tpu.memory_space<vmem>>, %arg2: memref<256x8193xf32, #tpu.memory_space<vmem>>) attributes {dimension_semantics = [#tpu.dimension_semantics<arbitrary>], iteration_bounds = array<i64: 16>, scalar_prefetch = 0 : i64, scratch_operands = 0 : i64, tpu.core_type = #tpu.core_type<tc>, window_params = [{transform_indices = @transform_0, window_bounds = array<i64: 256, 128>}, {transform_indices = @transform_1, window_bounds = array<i64: 256, 8193>}]} {
    %broadcast_in_dim3A = arith.constant 0.000000e+00 : f32
    %broadcast_in_dim3A_0 = vector.broadcast %broadcast_in_dim3A : f32 to vector<256x8193xf32>
    %swap3A = arith.constant 0 : index
    %swap3A_1 = arith.constant 0 : index
    %swap3A_2 = vector.load %arg2[%swap3A, %swap3A_1] : memref<256x8193xf32, #tpu.memory_space<vmem>>, vector<256x8193xf32>
    tpu.vector_store %arg2[%swap3A, %swap3A_1], %broadcast_in_dim3A_0 {strides = array<i32>} : memref<256x8193xf32, #tpu.memory_space<vmem>>, vector<256x8193xf32>,
    %iota3A = tpu.iota {dimensions = array<i32: 1>} : vector<256x128xi32>
    %eq3A = arith.constant 1 : i32
    %eq3A_3 = vector.broadcast %eq3A : i32 to vector<256x128xi32>
    %eq3A_4 = arith.cmpi eq, %iota3A, %eq3A_3 : vector<256x128xi32>
    %get3A = arith.constant 0 : index
    %get3A_5 = arith.constant 127 : index
    %get3A_6 = vector.load %arg1[%get3A, %get3A_5] : memref<256x128xf32, #tpu.memory_space<vmem>>, vector<256x1xf32>
    %jit3A = arith.constant 0.000000e+00 : f32
    %broadcast_in_dim3A_7 = vector.shape_cast %get3A_6 : vector<256x1xf32> to vector<256x1xf32>
    %broadcast_in_dim3A_8 = vector.broadcast %broadcast_in_dim3A_7 : vector<256x1xf32> to vector<256x128xf32>
    %broadcast_in_dim3A_9 = vector.broadcast %jit3A : f32 to vector<256x128xf32>
    %select_n3A = arith.select %eq3A_4, %broadcast_in_dim3A_8, %broadcast_in_dim3A_9 : vector<256x128xi1>, vector<256x128xf32>
    %swap3A_10 = arith.constant 0 : index
    %swap3A_11 = arith.constant 0 : index
    %swap3A_12 = vector.load %arg2[%swap3A_10, %swap3A_11] : memref<256x8193xf32, #tpu.memory_space<vmem>>, vector<256x128xf32>
    tpu.vector_store %arg2[%swap3A_10, %swap3A_11], %select_n3A {strides = array<i32>} : memref<256x8193xf32, #tpu.memory_space<vmem>>, vector<256x128xf32>,
    return
  }
  func.func @transform_0(%arg0: i32) -> (i32, i32) {
    %c0_i32 = arith.constant 0 : i32
    %c0_i32_0 = arith.constant 0 : i32
    return %arg0, %c0_i32 : i32, i32
  }
  func.func @transform_1(%arg0: i32) -> (i32, i32) {
    %c0_i32 = arith.constant 0 : i32
    %c0_i32_0 = arith.constant 0 : i32
    return %arg0, %c0_i32 : i32, i32
  }
}

</mosaic_0001>

<sc_bundles>
// kernel: kernel.4.cloned.1.call-start
scs
__scs_entry_jumppad:
0x0: {  	(pc) =	sbr.rel $0x88, $3  }
0x1: {  	(tag) =	ssettag $0x0;
	lr =	simm.s32 $0x1  }
0x2: {  	[smem:$0x3FA0] =	sst lr;
	_ =	strace $0xD0000000  }
0x3: {  	_ = 	snop  }
0x4: {  	_ = 	snop  }
0x5: {  	_ = 	snop  }
0x6: {  	_ = 	snop  }
0x7: {  	_ = 	snop  }
__scs_overlays_trampoline_lowered:
0x8: {  	[smem:$0x3FAF] =	sst s0  }
0x9: {  	[smem:$0x3FB0] =	sst s1  }
0xa: {  	[smem:$0x3FB1] =	sst s2  }
0xb: {  	[smem:$0x3FB2] =	sst s3  }
0xc: {  	[smem:$0x3FB3] =	sst s4  }
0xd: {  	[smem:$0x3FB4] =	sst s5  }
0xe: {  	[smem:$0x3FB5] =	sst s6  }
0xf: {  	[smem:$0x3FB6] =	sst s7  }
0x10: {  	[smem:$0x3FB7] =	sst s8  }
0x11: {  	[smem:$0x3FB8] =	sst s9;
	s0 =	simm.s32 @!p0 $0x0  }
0x12: {  	s1 =	sld [smem:$0x3F9E];
	s0 =	simm.s32 @p0 $0x1  }
0x13: {  	[smem:$0x3FB9] =	sst s0;
	s0 =	simm.s32 @!p1 $0x0  }
0x14: {  	s2 =	sld [smem:$0x3F9D];
	s0 =	simm.s32 @p1 $0x1  }
0x15: {  	[smem:$0x3FBA] =	sst s0;
	s0 =	simm.s32 @!p2 $0x0  }
0x16: {  	s3 =	sld [smem:$0x3FDB];
	s0 =	simm.s32 @p2 $0x1  }
0x17: {  	s4 =	simm.s32 $0x1BF5;
	[smem:$0x3FBC] =	sst s0  }
0x18: {  	s0 =	sld [smem:$0x3F9F];
	_ =	swait.ge [sflag:s4], $0x0  }
0x19: {  	s7 =	sld [smem:$0x3FA0]  }
0x1a: {  	s8 =	sadd.s32 $0xFFFFE003, lr  }
0x1b: {  	s9 =	sadd.s32 $0xFFFFFEF7, lr;
	s5 =	simm.s32 $0xFFFFFFFF;
	p2 =	slt.u32 s8, $0xFFFFF086  }
0x1c: {  	p1 =	slt.u32 s9, $0xF7A;
	s5 =	simm.s32 @!p2 $0x0  }
0x1d: {  	s5 =	simm.s32 @p1 $0x1;
	p0 =	seq.s32 s7, s2  }
0x1e: {  	s7 =	smul.u32 @!p0 $0xF7A, s2;
	p2 =	seq.s32 @!p0 s5, $0x0  }
0x1f: {  	s9 =	smul.u32 $0xF7A, s1;
	s8 =	simm.s32 @!p0 $0x1BF5;
	p2 =	por !p2, p0  }
0x20: {  	[sflag:s8] =	ssyncset.s32 @!p0 $0xFFFFF086;
	s6 =	sadd.s32 @!p0 s3, s7;
	s7 =	simm.s32 @!p0 $0x108  }
0x21: {  	s3 =	sadd.s32 s3, s9;
	s6 =	sadd.s32 @!p0 $0x88, s6;
	s7 =	simm.s32 @p2 $0x1082  }
0x22: {  	[simem:s7], [sflag:s8] =	dma.local @!p0 [hbm:s6], $0xF7A  }
0x23: {  	s9 =	sor.u32 $0xD0000000, s2;
	s6 =	simm.s32 $0x108;
	_ =	swait.ge @!p0 [sflag:s8], $0x0  }
0x24: {  	s3 =	sadd.s32 $0x88, s3;
	s6 =	simm.s32 @!p1 $0x1082;
	[sflag:s4] =	ssyncset.s32 $0xFFFFF086  }
0x25: {  	[simem:s6], [sflag:s4] =	dma.local [hbm:s3], $0xF7A  }
0x26: {  	[smem:$0x3FA0] =	sst s1;
	(tag) =	ssettag s2;
	_ =	strace s9  }
0x27: {  	s1 =	sld [smem:$0x3FB0]  }
0x28: {  	s2 =	sld [smem:$0x3FB1]  }
0x29: {  	s4 =	sld [smem:$0x3FB3]  }
0x2a: {  	p0 =	seq.s32 s5, $0x0;
	s5 =	sld [smem:$0x3FB4]  }
0x2b: {  	s6 =	sld [smem:$0x3FB5]  }
0x2c: {  	s7 =	sld [smem:$0x3FB6]  }
0x2d: {  	s3 =	simm.s32 $0x108;
	s8 =	sld [smem:$0x3FB7]  }
0x2e: {  	s3 =	simm.s32 @!p0 $0x1082;
	s9 =	sld [smem:$0x3FB8]  }
0x2f: {  	lr =	sadd.s32 s0, s3;
	s0 =	sld [smem:$0x3FAF]  }
0x30: {  	s3 =	sld [smem:$0x3FB2]  }
0x31: {  	[smem:$0x3FBB] =	sst s10  }
0x32: {  	s10 =	sld [smem:$0x3FB9];
	_ =	sdelay $0x3  }
0x33: {  	p0 =	seq.s32 s10, $0x1;
	s10 =	sld [smem:$0x3FBB];
	_ =	sdelay $0x3  }
0x34: {  	[smem:$0x3FBB] =	sst s10  }
0x35: {  	s10 =	sld [smem:$0x3FBA];
	_ =	sdelay $0x3  }
0x36: {  	p1 =	seq.s32 s10, $0x1;
	s10 =	sld [smem:$0x3FBB];
	_ =	sdelay $0x3  }
0x37: {  	[smem:$0x3FBB] =	sst s10  }
0x38: {  	s10 =	sld [smem:$0x3FBC]  }
0x39: {  	_ = 	snop;
	(pc) =	sbr.ind lr, $3  }
0x3a: {  	_ = 	snop  }
0x3b: {  	_ = 	snop  }
0x3c: {  	p2 =	seq.s32 s10, $0x1;
	s10 =	sld [smem:$0x3FBB]  }
0x3d: {  	_ =	shalt  }
0x3e: {  	_ =	shalt  }
0x3f: {  	_ =	shalt  }
0x40: {  	_ =	shalt  }
0x41: {  	_ =	shalt  }
0x42: {  	_ =	shalt  }
0x43: {  	_ =	shalt  }
0x44: {  	_ =	shalt  }
0x45: {  	_ =	shalt  }
0x46: {  	_ =	shalt  }
0x47: {  	_ =	shalt  }
0x48: {  	_ =	shalt  }
0x49: {  	_ =	shalt  }
0x4a: {  	_ =	shalt  }
0x4b: {  	_ =	shalt  }
0x4c: {  	_ =	shalt  }
0x4d: {  	_ =	shalt  }
0x4e: {  	_ =	shalt  }
0x4f: {  	_ =	shalt  }
0x50: {  	_ =	shalt  }
0x51: {  	_ =	shalt  }
0x52: {  	_ =	shalt  }
0x53: {  	_ =	shalt  }
0x54: {  	_ =	shalt  }
0x55: {  	_ =	shalt  }
0x56: {  	_ =	shalt  }
0x57: {  	_ =	shalt  }
0x58: {  	_ =	shalt  }
0x59: {  	_ =	shalt  }
0x5a: {  	_ =	shalt  }
0x5b: {  	_ =	shalt  }
0x5c: {  	_ =	shalt  }
0x5d: {  	_ =	shalt  }
0x5e: {  	_ =	shalt  }
0x5f: {  	_ =	shalt  }
0x60: {  	_ =	shalt  }
0x61: {  	_ =	shalt  }
0x62: {  	_ =	shalt  }
0x63: {  	_ =	shalt  }
0x64: {  	_ =	shalt  }
0x65: {  	_ =	shalt  }
0x66: {  	_ =	shalt  }
0x67: {  	_ =	shalt  }
0x68: {  	_ =	shalt  }
0x69: {  	_ =	shalt  }
0x6a: {  	_ =	shalt  }
0x6b: {  	_ =	shalt  }
0x6c: {  	_ =	shalt  }
0x6d: {  	_ =	shalt  }
0x6e: {  	_ =	shalt  }
0x6f: {  	_ =	shalt  }
0x70: {  	_ =	shalt  }
0x71: {  	_ =	shalt  }
0x72: {  	_ =	shalt  }
0x73: {  	_ =	shalt  }
0x74: {  	_ =	shalt  }
0x75: {  	_ =	shalt  }
0x76: {  	_ =	shalt  }
0x77: {  	_ =	shalt  }
0x78: {  	_ =	shalt  }
0x79: {  	_ =	shalt  }
0x7a: {  	_ =	shalt  }
0x7b: {  	_ =	shalt  }
0x7c: {  	_ =	shalt  }
0x7d: {  	_ =	shalt  }
0x7e: {  	_ =	shalt  }
0x7f: {  	_ =	shalt  }
0x80: {  	_ =	shalt  }
0x81: {  	_ =	shalt  }
0x82: {  	_ =	shalt  }
0x83: {  	_ =	shalt  }
0x84: {  	_ =	shalt  }
0x85: {  	_ =	shalt  }
0x86: {  	_ =	shalt  }
0x87: {  	_ =	shalt  }
.Lfunc_end0:
.L_simem_size_0:
called_computation.1_lowered:
.L_overlay_start_0:
0x88: {  	s2 =	sld [smem:$0x3FD9]  }
0x89: {  	s3 =	sld [smem:$0x3FFE];
	_ =	sdelay $0x1  }
0x8a: {  	s1 =	srdreg.scid  }
0x8b: {  	s0 =	sand.u32 $0x1, s1  }
0x8c: {  	s18 =	sshll.u32 s0, $0xA;
	s2 =	sadd.s32 s3, s2  }
0x8d: {  	s2 =	sadd.s32 s2, s18  }
0x8e: {  	[smem:$0x3FC7] =	sst s2  }
0x8f: {  	_ = 	snop  }
0x90: {  	s2 =	sld [smem:$0x3FC9]  }
0x91: {  	s19 =	sld [smem:$0x3FD0];
	(tm) =	ssettm $0x1  }
0x92: {  	s4 =	sld [smem:$0x3FFB];
	_ =	sdelay $0x3  }
0x93: {  	_ =	strace s4  }
0x94: {  	s4 =	sld [smem:$0x3FFC];
	_ =	sdelay $0x3  }
0x95: {  	_ =	strace s4  }
0x96: {  	s4 =	sld [smem:$0x3FFD];
	_ =	sdelay $0x3  }
0x97: {  	_ =	strace s4  }
0x98: {  	_ =	strace $0x8FFFFFFF  }
0x99: {  	s20 =	sld [smem:$0x3FDB];
	_ =	sdelay $0x1  }
0x9a: {  	s5 =	simm.s32 $_scs_section_size  }
0x9b: {  	s6 =	simm.s32 $_size__tile_overlayer_lowered;
	s7 =	simm.s32 $_tile_overlayer_lowered  }
0x9c: {  	s23 =	simm.s32 $0x1BFF;
	s22 =	sshll.u32 s7, $0x1;
	s4 =	sadd.s32 s5, s20  }
0x9d: {  	s8 =	simm.s32 $0x0;
	s21 =	sshll.u32 s6, $0x1;
	s6 =	sadd.s32 s22, s4  }
0x9e: {  	[timem:s8], [sflag:s23] =	dma.local [hbm:s6], s21  }
0x9f: {  	_ =	swait.ge [sflag:s23], s21  }
0xa0: {  	s5 =	ssub.s32 $0x0, s21;
	[sflag:s23] =	ssyncset.done $0x0  }
0xa1: {  	[sflag:s23] =	ssyncadd.s32 s5;
	_ =	sdelay $0x1  }
0xa2: {  	s24 =	simm.s32 $0x1B8B  }
0xa3: {  	_ =	swait.ge [sflag:s24], $0x1  }
0xa4: {  	[sflag:s24] =	ssyncset.done $0x0  }
0xa5: {  	s25 =	simm.s32 $0x1B8E;
	[sflag:s24] =	ssyncadd.s32 $0xFFFFFFFF  }
0xa6: {  	s26 =	simm.s32 $execute0_lowered;
	[smem:$0x3FD2] =	sst s25  }
0xa7: {  	s5 =	sshll.u32 s26, $0x1;
	_ =	strace $0x80000046;
	[dreg:$0x1] =	wrdreg $0xFFFFFFFF  }
0xa8: {  	s28 =	simm.s32 $_size_execute0_lowered;
	s4 =	sadd.s32 s4, s5;
	[dreg:$0x0] =	wrdreg $0x0  }
0xa9: {  	s5 =	sshll.u32 s28, $0x1;
	[dreg:$0x2] =	wrdreg s4  }
0xaa: {  	[dreg:$0x3] =	wrdreg s5  }
0xab: {  	[dreg:$0x4] =	wrdreg $0xC0  }
0xac: {  	_ =	task [dreg:s8], $0x5FFFF  }
0xad: {  	[dreg:$0x1] =	wrdreg $0xFFFFFFFF  }
0xae: {  	[dreg:$0x0] =	wrdreg $0x60  }
0xaf: {  	[dreg:$0x2] =	wrdreg s2  }
0xb0: {  	[dreg:$0x3] =	wrdreg s19  }
0xb1: {  	[dreg:$0x4] =	wrdreg $0x9  }
0xb2: {  	_ =	task.clear_ibuf [dreg:s8], $0x5FFFF;
	_ =	strace $0x90000046  }
0xb3: {  	s29 =	simm.s32 $0x9;
	_ =	strace $0x80000048  }
0xb4: {  	_ =	swait.ge [sflag:s29], $0x1  }
0xb5: {  	[sflag:s29] =	ssyncadd.s32 $0xFFFFFFFF  }
0xb6: {  	_ =	strace $0x90000048  }
0xb7: {  	_ =	sfence  }
0xb8: {  	s30 =	sld [smem:$0x0];
	_ =	sdelay $0x2  }
0xb9: {  	s31 =	sshll.u32 s1, $0xD;
	s1 =	sshrl.u32 s1, $0x2  }
0xba: {  	s3 =	sand.u32 $0x4000, s31;
	s1 =	sadd.s32 s1, s30  }
0xbb: {  	s0 =	sor.u32 s3, s0;
	s1 =	sshll.u32 s1, $0x11  }
0xbc: {  	s0 =	sor.u32 s1, s0  }
0xbd: {  	s0 =	sadd.s32 $0x8F2B, s0  }
0xbe: {  	[sflag:s0] =	ssyncadd.remote.s32 $0x1  }
0xbf: {  	_ =	sfence.sel $0xFFFF  }
0xc0: {  	[dreg:$0x0] =	wrdreg $0xFFFFFFFF;
	(pc) =	sbr.abs _section_cstart, $3  }
0xc1: {  	[dreg:$0x1] =	wrdreg $0xFFFFFFFF  }
0xc2: {  	_ =	task.clear_ibuf [dreg:s8], $0x2FFFF;
	_ =	strace $0x9FFFFFFF  }
0xc3: {  	(tm) =	ssettm $0x7FFFFFFF  }
tec
execute0_lowered:
.L_overlay_start_1:
0x0: {  	(tag) =	ssettag $0x1  }
0x1: {  	s1 =	srdreg.scid;
	s4 =	rddreg [dreg:$0x0]  }
0x2: {  	s0 =	stileid.u32;
	s7 =	rddreg [dreg:$0x1]  }
0x3: {  	s6 =	simm.s32 $0x1;
	s3 =	sand.u32 $0x1, s1;
	s31 =	sshll.u32 s0, $0x8  }
0x4: {  	s1 =	rddreg [dreg:$0x2];
	s2 =	sshll.u32 s3, $0x7;
	s9 =	ssub.s32 $0x2, s3  }
0x5: {  	s8 =	sor.u32 s2, s31;
	s2 =	simm.s32 $0x0;
	s10 =	sshrl.u32 s9, $0x1  }
0x6: {  	s5 =	sshll.u32 s8, $0xA;
	[smem:$0x7FF] =	sst s2;
	s9 =	ssub.s32 s9, s10  }
0x7: {  	s4 =	sadd.s32 s5, s4;
	_ =	strace $0x80000047;
	s5 =	simm.s32 $0x10000  }
0x8: {  	s9 =	smax.u32 s9, $0x1;
	s3 =	sadd.s32 $0x1F80, s4;
	s4 =	simm.s32 $0x400  }
0x9: {  	[tilespmem:s2], [sflag:$0x1] =	stream.strided.gather [hbm4b:s3+s4], $0x4000, s5, s4, $0x38;
	[tilespmem:$0x4000] =	vst v63  }
0xa: {  	p0 =	sne.s32 s9, $0x1;
	_ =	swait.ge [sflag:s6], $0x4000  }
.Ltmp0:
0xb: {  	s8 =	sshll.u32 s8, $0x4;
	[sflag:s6] =	ssyncset.done $0x0;
	(pc) =	sbr.rel @!p0 .LBB2_2-.Ltmp0, $4  }
0xc: {  	s7 =	sadd.s32 s7, s8;
	s8 =	simm.s32 $0x2;
	[sflag:s6] =	ssyncadd.s32 $0xFFFFC000  }
0xd: {  	[hbm4b:s7+s2] =	stream.linear.scatter [tilespmem:s2], [sflag:$0x2], $0x4000, $0x38;
	[tilespmem:$0x4000] =	vst v63  }
0xe: {  	_ =	swait.ge [sflag:s8], $0x4000  }
0xf: {  	s9 =	sadd.s32 $0xFFFFFFFF, s9;
	[sflag:s8] =	ssyncset.done $0x0  }
.LBB2_1:
0x10: {  	p0 =	sne.s32 s9, $0x1;
	s9 =	sadd.s32 $0xFFFFFFFF, s9;
	[sflag:s8] =	ssyncadd.s32 $0xFFFFC000  }
0x11: {  	[tilespmem:s2], [sflag:$0x1] =	stream.strided.gather [hbm4b:s3+s4], $0x4000, s5, s4, $0x38;
	[tilespmem:$0x4000] =	vst v63  }
0x12: {  	_ =	swait.ge [sflag:s6], $0x4000  }
.Ltmp1:
0x13: {  	[sflag:s6] =	ssyncset.done $0x0;
	(pc) =	sbr.rel @p0 .LBB2_1-.Ltmp1, $4  }
0x14: {  	[sflag:s6] =	ssyncadd.s32 $0xFFFFC000  }
0x15: {  	[hbm4b:s7+s2] =	stream.linear.scatter [tilespmem:s2], [sflag:$0x2], $0x4000, $0x38;
	[tilespmem:$0x4000] =	vst v63  }
0x16: {  	_ =	swait.ge [sflag:s8], $0x4000  }
0x17: {  	[sflag:s8] =	ssyncset.done $0x0  }
.LBB2_2:
0x18: {  	[sflag:s8] =	ssyncadd.s32 $0xFFFFC000  }
0x19: {  	_ =	sfence.sel $0x180000  }
0x1a: {  	[bflag:$0x0] =	sbarrier.arrive $0xFFFF  }
0x1b: {  	p0 =	sne.s32 s0, $0x0;
	_ =	strace $0x90000047  }
0x1c: {  	s0 =	sadd.s32 @!p0 $0x100000, s1;
	[bflag:$0x2] =	sbarrier.arrive $0xFFFF  }
0x1d: {  	[sflag:s0] =	ssyncadd.tile.s32 @!p0 $0x1;
	_ =	shalt  }
.Lfunc_end2:
_tile_overlayer_lowered:
.L_overlay_start_2:
0x1e: {  	(tag) =	ssettag $0x2  }
0x1f: {  	s0 =	rddreg [dreg:$0x0];
	s2 =	stileid.u32  }
0x20: {  	s1 =	rddreg [dreg:$0x1];
	p0 =	sne.s32 s2, $0x0  }
0x21: {  	s3 =	rddreg [dreg:$0x2];
	[bflag:$0x3] =	sbarrier.arrive $0xFFFF;
	s2 =	simm.s32 @!p0 $0x1C02  }
0x22: {  	[timem:s3], [sflag:s2] =	dma.local @!p0 [hbm:s0], s1  }
0x23: {  	s0 =	simm.s32 @!p0 $0x2  }
0x24: {  	_ =	swait.ge @!p0 [sflag:s0], s1  }
0x25: {  	s1 =	ssub.s32 @!p0 $0x0, s1;
	[sflag:s0] =	ssyncset.done @!p0 $0x0  }
0x26: {  	[sflag:s0] =	ssyncadd.s32 @!p0 s1  }
0x27: {  	[bflag:$0x3] =	sbarrier.arrive $0xFFFF  }
0x28: {  	_ =	shalt  }

// kernel: sparse-core-data-format-call.cloned.1.call-start
scs
called_computation_lowered:
.L_overlay_start_0:
0x0: {  	s2 =	sld [smem:$0x3FD9]  }
0x1: {  	s3 =	sld [smem:$0x3FFE];
	_ =	sdelay $0x1  }
0x2: {  	s1 =	srdreg.scid  }
0x3: {  	s0 =	sand.u32 $0x1, s1  }
0x4: {  	s18 =	sshll.u32 s0, $0xA;
	s2 =	sadd.s32 s3, s2  }
0x5: {  	s2 =	sadd.s32 s2, s18  }
0x6: {  	[smem:$0x3FC7] =	sst s2  }
0x7: {  	_ = 	snop  }
0x8: {  	s2 =	sld [smem:$0x3FD0];
	(tm) =	ssettm $0x1  }
0x9: {  	s19 =	sld [smem:$0x3FFB];
	_ =	sdelay $0x3  }
0xa: {  	_ =	strace s19  }
0xb: {  	s3 =	sld [smem:$0x3FFC];
	_ =	sdelay $0x3  }
0xc: {  	_ =	strace s3  }
0xd: {  	s3 =	sld [smem:$0x3FFD];
	_ =	sdelay $0x3  }
0xe: {  	_ =	strace s3  }
0xf: {  	_ =	strace $0x8FFFFFFF  }
0x10: {  	s20 =	sld [smem:$0x3FDB];
	_ =	sdelay $0x1  }
0x11: {  	s4 =	simm.s32 $_scs_section_size  }
0x12: {  	s5 =	simm.s32 $_size__tile_overlayer_lowered;
	s6 =	simm.s32 $_tile_overlayer_lowered  }
0x13: {  	s23 =	simm.s32 $0x1BFF;
	s22 =	sshll.u32 s6, $0x1;
	s3 =	sadd.s32 s4, s20  }
0x14: {  	s7 =	simm.s32 $0x0;
	s21 =	sshll.u32 s5, $0x1;
	s5 =	sadd.s32 s22, s3  }
0x15: {  	[timem:s7], [sflag:s23] =	dma.local [hbm:s5], s21  }
0x16: {  	_ =	swait.ge [sflag:s23], s21  }
0x17: {  	s4 =	ssub.s32 $0x0, s21;
	[sflag:s23] =	ssyncset.done $0x0  }
0x18: {  	[sflag:s23] =	ssyncadd.s32 s4;
	_ =	sdelay $0x1  }
0x19: {  	s24 =	simm.s32 $0x1B8B  }
0x1a: {  	_ =	swait.ge [sflag:s24], $0x1  }
0x1b: {  	[sflag:s24] =	ssyncset.done $0x0  }
0x1c: {  	s26 =	simm.s32 $0x1B8E;
	s25 =	sld [smem:$0x3FFE];
	[sflag:s24] =	ssyncadd.s32 $0xFFFFFFFF  }
0x1d: {  	s27 =	simm.s32 $execute0_lowered;
	[smem:$0x3FD2] =	sst s26  }
0x1e: {  	s5 =	sshll.u32 s27, $0x1;
	_ =	strace $0x80000049;
	[dreg:$0x1] =	wrdreg $0xFFFFFFFF  }
0x1f: {  	s28 =	simm.s32 $_size_execute0_lowered;
	s3 =	sadd.s32 s3, s5;
	[dreg:$0x0] =	wrdreg $0x0  }
0x20: {  	s5 =	sshll.u32 s28, $0x1;
	[dreg:$0x2] =	wrdreg s3  }
0x21: {  	[dreg:$0x3] =	wrdreg s5  }
0x22: {  	[dreg:$0x4] =	wrdreg $0xC0  }
0x23: {  	_ =	task [dreg:s7], $0x5FFFF  }
0x24: {  	[dreg:$0x1] =	wrdreg $0xFFFFFFFF  }
0x25: {  	[dreg:$0x0] =	wrdreg $0x60  }
0x26: {  	[dreg:$0x2] =	wrdreg s25  }
0x27: {  	[dreg:$0x3] =	wrdreg s2  }
0x28: {  	[dreg:$0x4] =	wrdreg $0x9  }
0x29: {  	_ =	task.clear_ibuf [dreg:s7], $0x5FFFF;
	_ =	strace $0x90000049  }
0x2a: {  	s29 =	simm.s32 $0x9;
	_ =	strace $0x8000004B  }
0x2b: {  	_ =	swait.ge [sflag:s29], $0x1  }
0x2c: {  	[sflag:s29] =	ssyncadd.s32 $0xFFFFFFFF  }
0x2d: {  	_ =	strace $0x9000004B  }
0x2e: {  	_ =	sfence  }
0x2f: {  	s30 =	sld [smem:$0x0];
	_ =	sdelay $0x2  }
0x30: {  	s31 =	sshll.u32 s1, $0xD;
	s1 =	sshrl.u32 s1, $0x2  }
0x31: {  	s3 =	sand.u32 $0x4000, s31;
	s1 =	sadd.s32 s1, s30  }
0x32: {  	s0 =	sor.u32 s3, s0;
	s1 =	sshll.u32 s1, $0x11  }
0x33: {  	s0 =	sor.u32 s1, s0  }
0x34: {  	s0 =	sadd.s32 $0x8F2B, s0  }
0x35: {  	[sflag:s0] =	ssyncadd.remote.s32 $0x1  }
0x36: {  	_ =	sfence.sel $0xFFFF  }
0x37: {  	[dreg:$0x0] =	wrdreg $0xFFFFFFFF;
	(pc) =	sbr.abs _section_cstart, $3  }
0x38: {  	[dreg:$0x1] =	wrdreg $0xFFFFFFFF  }
0x39: {  	_ =	task.clear_ibuf [dreg:s7], $0x2FFFF;
	_ =	strace $0x9FFFFFFF  }
0x3a: {  	(tm) =	ssettm $0x7FFFFFFF  }
0x3b: {  	_ =	shalt  }
tec
execute0_lowered:
.L_overlay_start_1:
0x0: {  	(tag) =	ssettag $0x1  }
0x1: {  	s0 =	stileid.u32;
	s5 =	rddreg [dreg:$0x0]  }
0x2: {  	s1 =	srdreg.scid;
	s3 =	rddreg [dreg:$0x1];
	s6 =	simm.s32 $0x1  }
0x3: {  	s8 =	simm.s32 $0x2;
	s2 =	sshll.u32 s0, $0x5;
	s1 =	sshll.u32 s1, $0x9  }
0x4: {  	s18 =	simm.s32 $0x0;
	s9 =	simm.s32 $0x1000;
	s1 =	sor.u32 s2, s1  }
0x5: {  	s17 =	simm.s32 $0x0;
	s19 =	simm.s32 $0x0;
	s2 =	sand.u32 $0x380, s1  }
0x6: {  	s10 =	simm.s32 $0x0;
	s11 =	simm.s32 $0x0;
	s4 =	ssub.s32 $0x400, s2  }
0x7: {  	s12 =	simm.s32 $0x0;
	s13 =	simm.s32 $0x0;
	s31 =	sand.u32 $0x380, s4  }
0x8: {  	s16 =	simm.s32 $0x0;
	s7 =	sand.u32 $0x3, s0;
	p0 =	sne.s32 s31, $0x0  }
.Ltmp0:
0x9: {  	s4 =	sshrl.u32 s4, $0xA;
	s6 =	simm.s32 @!p0 $0x0;
	(pc) =	sbr.rel .LBB1_1-.Ltmp0, $4  }
0xa: {  	s1 =	rddreg [dreg:$0x2];
	_ =	strace $0x8000004A;
	s6 =	sadd.s32 s6, s4  }
0xb: {  	s4 =	sadd.s32 $0xA00, s5;
	s5 =	simm.s32 $0x1;
	s6 =	smul.u32 $0x41, s6  }
0xc: {  	s15 =	smov.u32 s7;
	s14 =	smov.u32 s2;
	[sflag:s5] =	ssyncpa.u1 $0x0  }
0xd: {  	p0 =	por $0x0, $0x0;
	[sflag:s8] =	ssyncpa.u1 $0x0;
	s8 =	sadd.s32 $0x1, s6  }
.LBB1_4:
0xe: {  	s24 =	sshra.s32 s24, $0x2  }
0xf: {  	s25 =	sshll.u32 s12, $0x7;
	s30 =	sand.u32 $0x78, s11;
	p2 =	sgt.s32 s12, $0x3  }
0x10: {  	s26 =	sshra.s32 s12, $0x1F;
	p1 =	sgt.s32 s10, $0x1F81;
	s27 =	sshra.s32 s11, $0x1F  }
0x11: {  	s31 =	sshra.s32 s10, $0x1F;
	s23 =	sadd.s32 s24, s23;
	s25 =	sand.u32 $0x180, s25  }
0x12: {  	s26 =	sand.u32 s26, s12;
	s24 =	sor.u32 s25, s30;
	s25 =	smov.u32 s12  }
0x13: {  	v5 =	vld [tilespmem:s21+$0xFFFFFFD0];
	s27 =	sand.u32 s27, s11;
	s30 =	sshll.u32 s11, $0x2;
	s25 =	simm.s32 @!p2 $0x3  }
0x14: {  	[tilespmem:s22+$0x2040 ss:$0x81] =	vst.msk $0xffff, v4;
	v58 =	vld [tilespmem:s21+$0xFFFFFFE0];
	p2 =	sgt.s32 s11, $0x380;
	s25 =	ssub.s32 s25, s26;
	s26 =	smov.u32 s11  }
0x15: {  	[tilespmem:s22+$0x2850 ss:$0x81] =	vst.msk $0xffff, v3;
	v59 =	vld [tilespmem:s21+$0xFFFFFFF0];
	s28 =	sadd.s32 $0xFFFFFFFD, s25;
	s26 =	simm.s32 @!p2 $0x380;
	s25 =	ssub.s32 $0x4, s25  }
0x16: {  	[tilespmem:s22+$0x3060 ss:$0x81] =	vst.msk $0xffff, v2;
	v60 =	vld [tilespmem:s21+$0x0];
	p2 =	sgt.s32 s28, $0x0;
	s28 =	smov.u32 s10;
	s26 =	ssub.s32 s26, s27  }
0x17: {  	[tilespmem:s22+$0x0 ss:$0x81] =	vst.msk $0xffff, v1;
	v61 =	vld [tilespmem:s21+$0x10];
	s27 =	sand.u32 s31, s10;
	s31 =	sand.u32 $0x200, s30;
	s28 =	simm.s32 @!p1 $0x1F81  }
0x18: {  	v62 =	vld [tilespmem:s21+$0x20];
	[tilespmem:s23+$0x3870 ss:$0x81] =	vst.msk $0xffff, v0;
	s25 =	simm.s32 @p2 $0x0;
	s22 =	ssub.s32 s28, s27;
	s28 =	sadd.s32 $0xFFFFFC80, s26  }
0x19: {  	v63 =	vld [tilespmem:s21+$0xFFFFFFC0];
	[tilespmem:s23+$0x810 ss:$0x81] =	vst.msk $0xffff, v5;
	s21 =	sor.u32 s31, s24;
	s26 =	ssub.s32 $0x400, s26;
	p1 =	sgt.s32 s28, $0x7F  }
0x1a: {  	[tilespmem:s23+$0x1020 ss:$0x81] =	vst.msk $0xffff, v58;
	s27 =	sshll.u32 s10, $0x9;
	s29 =	sadd.s32 $0xFFFFE07F, s22;
	s26 =	simm.s32 @p1 $0x0  }
0x1b: {  	[tilespmem:s23+$0x1830 ss:$0x81] =	vst.msk $0xffff, v59;
	s22 =	ssub.s32 $0x2001, s22;
	p1 =	sgt.s32 s29, $0x7F;
	s25 =	smul.u32 s25, s26  }
0x1c: {  	[tilespmem:s23+$0x2040 ss:$0x81] =	vst.msk $0xffff, v60;
	s28 =	sshrl.u32 s11, $0x1;
	s24 =	sadd.s32 s3, s27;
	s22 =	simm.s32 @p1 $0x0  }
0x1d: {  	[tilespmem:s23+$0x2850 ss:$0x81] =	vst.msk $0xffff, v61;
	s29 =	sand.u32 $0x7, s11;
	s22 =	smul.u32 s22, s25;
	s25 =	sand.u32 $0x180, s28  }
0x1e: {  	[tilespmem:s23+$0x3060 ss:$0x81] =	vst.msk $0xffff, v62;
	s21 =	sshrl.u32 s21, $0x3;
	s30 =	sshll.u32 s29, $0x12;
	s24 =	sadd.s32 s25, s24  }
0x1f: {  	[tilespmem:s23+$0x0 ss:$0x81] =	vst.msk $0xffff, v63;
	s31 =	sor.u32 $0x80, s30;
	s22 =	sand.u32 $0x3FFFFFFF, s22;
	s21 =	sadd.s32 s21, s24  }
0x20: {  	[hbm4b:s21+s31] =	stream.strided.scatter [tilespmem:s20], [sflag:$0x2], s22, s9, s31, $0x20;
	[tilespmem:$0x10100] =	vst v63  }
.LBB1_5:
0x21: {  	p1 =	slt.u32 s16, $0x2;
	s21 =	smov.u32 s19  }
0x22: {  	p2 =	sgt.s32 @!p1 s18, $0x1F81;
	s20 =	sshra.s32 @!p1 s18, $0x1F;
	p3 =	sgt.s32 @!p1 s19, $0x3  }
0x23: {  	s22 =	sshra.s32 @!p1 s19, $0x1F;
	p2 =	por !p2, p1;
	s20 =	sand.u32 @!p1 s20, s18  }
0x24: {  	p3 =	por !p3, p1;
	s19 =	sand.u32 @!p1 s22, s19;
	s22 =	sshra.s32 @!p1 s17, $0x1F  }
0x25: {  	s21 =	simm.s32 @p3 $0x3;
	p3 =	sgt.s32 @!p1 s17, $0x380;
	s18 =	simm.s32 @p2 $0x1F81  }
0x26: {  	s19 =	ssub.s32 @!p1 s21, s19;
	p3 =	por !p3, p1;
	s21 =	smov.u32 s17  }
0x27: {  	s17 =	sand.u32 @!p1 s22, s17;
	s18 =	ssub.s32 @!p1 s18, s20;
	s21 =	simm.s32 @p3 $0x380  }
0x28: {  	s20 =	sadd.s32 @!p1 $0xFFFFFFFD, s19;
	s19 =	ssub.s32 @!p1 $0x4, s19;
	s17 =	ssub.s32 @!p1 s21, s17  }
0x29: {  	s21 =	sadd.s32 @!p1 $0xFFFFE07F, s18;
	p2 =	sgt.s32 @!p1 s20, $0x0;
	s20 =	sadd.s32 @!p1 $0xFFFFFC80, s17  }
0x2a: {  	s18 =	ssub.s32 @!p1 $0x2001, s18;
	p2 =	por !p2, p1;
	p3 =	sgt.s32 @!p1 s20, $0x7F  }
0x2b: {  	s17 =	ssub.s32 @!p1 $0x400, s17;
	s19 =	simm.s32 @!p2 $0x0;
	p2 =	por !p3, p1  }
0x2c: {  	s20 =	sadd.s32 $0x80, s13;
	p3 =	sgt.s32 @!p1 s21, $0x7F;
	s17 =	simm.s32 @!p2 $0x0  }
0x2d: {  	s21 =	smov.u32 s14;
	p2 =	por !p3, p1;
	s17 =	smul.u32 @!p1 s19, s17  }
0x2e: {  	s18 =	simm.s32 @!p2 $0x0;
	p2 =	sgt.s32 s20, $0x2000;
	s19 =	sadd.s32 $0x400, s14  }
0x2f: {  	s22 =	smov.u32 s15;
	s21 =	smov.u32 @p2 s19  }
0x30: {  	s17 =	smul.u32 @!p1 s18, s17;
	p3 =	sgt.s32 s21, $0x3FF;
	s18 =	sadd.s32 $0x4, s15  }
0x31: {  	p0 =	por !p0, !p0;
	s23 =	simm.s32 @!p1 $0x2;
	s22 =	smov.u32 @p3 s18  }
0x32: {  	s20 =	simm.s32 @p2 $0x0;
	s19 =	smov.u32 s12;
	p2 =	sgt.s32 s22, $0x3  }
0x33: {  	s12 =	smov.u32 s15;
	s22 =	smov.u32 @p2 s7;
	p2 =	sne.s32 s16, s8  }
.Ltmp1:
0x34: {  	s21 =	smov.u32 @p3 s2;
	s18 =	smov.u32 s10;
	(pc) =	sbr.rel @!p2 .LBB1_6-.Ltmp1, $4  }
0x35: {  	s10 =	smov.u32 s13;
	s13 =	smov.u32 s20;
	s17 =	sand.u32 @!p1 $0x3FFFFFFF, s17  }
0x36: {  	_ =	swait.ge @!p1 [sflag:s23], s17;
	s24 =	ssub.s32 @!p1 $0x0, s17;
	s17 =	smov.u32 s11  }
0x37: {  	s16 =	sadd.s32 $0x1, s16;
	s11 =	smov.u32 s14;
	[sflag:s23] =	ssyncset.done @!p1 $0x0  }
0x38: {  	s14 =	smov.u32 s21;
	s15 =	smov.u32 s22;
	[sflag:s23] =	ssyncadd.s32 @!p1 s24  }
.LBB1_1:
0x39: {  	p1 =	sge.u32 s16, s6  }
0x3a: {  	s20 =	sshrl.u32 @!p1 s14, $0x3  }
0x3b: {  	s21 =	sshll.u32 @!p1 s13, $0x3;
	s20 =	smul.u32 @!p1 $0x10400, s20  }
0x3c: {  	s22 =	sshll.u32 @!p1 s14, $0x7;
	s21 =	sand.u32 @!p1 $0xFFFFFC00, s21  }
0x3d: {  	s20 =	sadd.s32 @!p1 s20, s21;
	s21 =	sand.u32 @!p1 $0x380, s22  }
0x3e: {  	s22 =	sand.u32 @!p1 $0x7F, s13;
	s20 =	sor.u32 @!p1 s21, s20  }
0x3f: {  	s21 =	sor.u32 @!p1 s22, s20  }
0x40: {  	s22 =	smulhi.u32 @!p1 $0xFC0FC0FD, s21  }
0x41: {  	s20 =	smulhi.u32 @!p1 $0xFC0FC0FD, s20  }
0x42: {  	s22 =	sshrl.u32 @!p1 s22, $0xD  }
0x43: {  	s31 =	sadd.s32 $0xFFFFFFFF, s16;
	s20 =	sshrl.u32 @!p1 s20, $0xD;
	s22 =	smul.u32 @!p1 $0x2080, s22  }
0x44: {  	s23 =	sxor.u32 @!p1 $0xFFFFFFFF, s16;
	s24 =	smul.u32 @!p1 $0x104000, s15;
	s20 =	sand.u32 @!p1 $0x3FF, s20  }
0x45: {  	s23 =	sshll.u32 @!p1 s23, $0xE;
	s20 =	smul.u32 @!p1 $0x410, s20;
	s21 =	ssub.s32 @!p1 s21, s22  }
0x46: {  	s22 =	sand.u32 @!p1 $0x4000, s23;
	s23 =	sadd.s32 @!p1 s4, s24;
	s24 =	sand.u32 @!p1 $0x7, s21  }
0x47: {  	s21 =	sshrl.u32 @!p1 s21, $0x3;
	s20 =	sadd.s32 @!p1 s20, s23;
	s23 =	sshll.u32 @!p1 s24, $0x12  }
0x48: {  	s20 =	sadd.s32 @!p1 s21, s20;
	s21 =	sor.u32 @!p1 $0x400, s23;
	s23 =	simm.s32 @!p1 $0x10400  }
0x49: {  	[tilespmem:s22], [sflag:$0x1] =	stream.strided.gather @!p1 [hbm4b:s20+s21], $0x4000, s23, s21, $0x38;
	[tilespmem:$0x10100] =	vst v63  }
0x4a: {  	p1 =	sge.u32 s31, s6  }
.Ltmp2:
0x4b: {  	_ = 	snop;
	(pc) =	sbr.rel @p1 .LBB1_5-.Ltmp2, $1  }
0x4c: {  	_ =	sdelay $0x3  }
0x4d: {  	s20 =	simm.s32 $0x1  }
0x4e: {  	_ =	swait.ge [sflag:s5], $0x4000;
	s20 =	simm.s32 @!p0 $0x0  }
0x4f: {  	[sflag:s5] =	ssyncset.done $0x0;
	s21 =	sshll.u32 s20, $0xE  }
0x50: {  	[sflag:s5] =	ssyncadd.s32 $0xFFFFC000;
	s21 =	sor.u32 $0x40, s21  }
0x51: {  	s20 =	smul.u32 $0x10200, s20;
	v0 =	vld [tilespmem:s21+$0x30]  }
0x52: {  	v1 =	vld [tilespmem:s21+$0xFFFFFFD0]  }
0x53: {  	s20 =	sshrl.u32 s20, $0x2;
	v5 =	vld [tilespmem:s21+$0xFFFFFFE0]  }
0x54: {  	v6 =	vld [tilespmem:s21+$0xFFFFFFF0];
	s23 =	sor.u32 $0x8000, s20  }
0x55: {  	s31 =	sand.u32 $0x1, s16;
	v4 =	vld [tilespmem:s21+$0x0];
	s22 =	sadd.s32 $0x0, s23  }
0x56: {  	v3 =	vld [tilespmem:s21+$0x10];
	s20 =	smul.u32 $0x10200, s31;
	[tilespmem:s22+$0x3870 ss:$0x81] =	vst.msk $0xffff, v0  }
0x57: {  	v2 =	vld [tilespmem:s21+$0x20];
	[tilespmem:s22+$0x810 ss:$0x81] =	vst.msk $0xffff, v1  }
0x58: {  	s20 =	sshrl.u32 s20, $0x2;
	v1 =	vld [tilespmem:s21+$0xFFFFFFC0];
	[tilespmem:s22+$0x1020 ss:$0x81] =	vst.msk $0xffff, v5;
	s21 =	sadd.s32 $0x80, s21  }
0x59: {  	s24 =	simm.s32 $0x4;
	s25 =	simm.s32 $0x8;
	s20 =	sor.u32 $0x8000, s20;
	[tilespmem:s22+$0x1830 ss:$0x81] =	vst.msk $0xffff, v6;
	v0 =	vld [tilespmem:s21+$0x30]  }
.LBB1_3:
0x5a: {  	p1 =	sne.s32 s25, $0x1FC;
	v5 =	vld [tilespmem:s21+$0xFFFFFFD0];
	[tilespmem:s22+$0x2040 ss:$0x81] =	vst.msk $0xffff, v4  }
0x5b: {  	v6 =	vld [tilespmem:s21+$0xFFFFFFE0];
	[tilespmem:s22+$0x2850 ss:$0x81] =	vst.msk $0xffff, v3  }
0x5c: {  	s26 =	sshra.s32 s24, $0x2;
	s24 =	smov.u32 s25;
	v7 =	vld [tilespmem:s21+$0xFFFFFFF0];
	[tilespmem:s22+$0x3060 ss:$0x81] =	vst.msk $0xffff, v2  }
.Ltmp3:
0x5d: {  	v4 =	vld [tilespmem:s21+$0x0];
	[tilespmem:s22+$0x0 ss:$0x81] =	vst.msk $0xffff, v1;
	s22 =	sadd.s32 s26, s23;
	(pc) =	sbr.rel @p1 .LBB1_3-.Ltmp3, $4  }
0x5e: {  	v3 =	vld [tilespmem:s21+$0x10];
	[tilespmem:s22+$0x3870 ss:$0x81] =	vst.msk $0xffff, v0  }
0x5f: {  	[tilespmem:s22+$0x810 ss:$0x81] =	vst.msk $0xffff, v5;
	v2 =	vld [tilespmem:s21+$0x20]  }
0x60: {  	v1 =	vld [tilespmem:s21+$0xFFFFFFC0];
	[tilespmem:s22+$0x1020 ss:$0x81] =	vst.msk $0xffff, v6;
	s21 =	sadd.s32 $0x80, s21  }
0x61: {  	s25 =	sadd.s32 $0x4, s25;
	v0 =	vld [tilespmem:s21+$0x30];
	[tilespmem:s22+$0x1830 ss:$0x81] =	vst.msk $0xffff, v7  }
.Ltmp4:
0x62: {  	_ = 	snop;
	(pc) =	sbr.rel .LBB1_4-.Ltmp4, $1  }
0x63: {  	_ =	sdelay $0x3  }
.LBB1_6:
0x64: {  	_ =	sfence.sel $0x180000  }
0x65: {  	s2 =	simm.s32 $0x1;
	[bflag:$0x0] =	sbarrier.arrive $0xFFFF  }
0x66: {  	s31 =	simm.s32 $0x2;
	[sflag:s2] =	ssyncpa.u1 $0x1  }
0x67: {  	[sflag:s31] =	ssyncpa.u1 $0x1  }
0x68: {  	p0 =	sne.s32 s0, $0x0;
	_ =	strace $0x9000004A  }
0x69: {  	s0 =	sadd.s32 @!p0 $0x100000, s1;
	[bflag:$0x2] =	sbarrier.arrive $0xFFFF  }
0x6a: {  	[sflag:s0] =	ssyncadd.tile.s32 @!p0 $0x1;
	_ =	shalt  }
.Lfunc_end1:
_tile_overlayer_lowered:
.L_overlay_start_2:
0x6b: {  	(tag) =	ssettag $0x2  }
0x6c: {  	s0 =	rddreg [dreg:$0x0];
	s2 =	stileid.u32  }
0x6d: {  	s1 =	rddreg [dreg:$0x1];
	p0 =	sne.s32 s2, $0x0  }
0x6e: {  	s3 =	rddreg [dreg:$0x2];
	[bflag:$0x3] =	sbarrier.arrive $0xFFFF;
	s2 =	simm.s32 @!p0 $0x1C01  }
0x6f: {  	[timem:s3], [sflag:s2] =	dma.local @!p0 [hbm:s0], s1  }
0x70: {  	s0 =	simm.s32 @!p0 $0x1  }
0x71: {  	_ =	swait.ge @!p0 [sflag:s0], s1  }
0x72: {  	s1 =	ssub.s32 @!p0 $0x0, s1;
	[sflag:s0] =	ssyncset.done @!p0 $0x0  }
0x73: {  	[sflag:s0] =	ssyncadd.s32 @!p0 s1  }
0x74: {  	[bflag:$0x3] =	sbarrier.arrive $0xFFFF  }
0x75: {  	_ =	shalt  }

</sc_bundles>
